<compile_context>
chip_gen: v7x
topology: tpu7x:2x2x1
jax: 0.10.2.dev20260603
libtpu: 0.0.44.dev20260713+nightly
codegen_flags: <defaults>
</compile_context>

<pallas_src>
import functools

import jax
import jax.numpy as jnp
from jax import lax
from jax.experimental import pallas as pl
from jax.experimental.pallas import tpu as pltpu
from jax.experimental.pallas import tpu_sc as plsc

B = 1024
H = 128
IN = 128
L = 2
S = 100
NROWS = (S + 1) * B * L

_NC = 2
_NS = 16
_NW = _NC * _NS
_BPW = B // _NW
_LANES = 16


def _sc_gather_body(hflat, cflat, posr, h0_out, h1_out, c0_out, c1_out,
                    idx_v, q_v, h_v, c_v,
                    sem_h, sem_c,
                    sem_st0, sem_st1, sem_st2, sem_st3):
    wid = lax.axis_index("s") * _NC + lax.axis_index("c")
    base = wid * _BPW
    pltpu.sync_copy(posr.at[pl.ds(base, _BPW)], idx_v)
    for j in range(_BPW // _LANES):
        p = idx_v[pl.ds(j * _LANES, _LANES)]
        lane = lax.iota(jnp.int32, _LANES)
        rid = p * B + (base + j * _LANES) + lane
        q_v[pl.ds(j * _LANES, _LANES)] = 2 * rid
        q_v[pl.ds(_BPW + j * _LANES, _LANES)] = 2 * rid + 1
    cp_h = pltpu.async_copy(hflat.at[q_v], h_v, sem_h)
    cp_c = pltpu.async_copy(cflat.at[q_v], c_v, sem_c)
    cp_h.wait()
    st_h0 = pltpu.async_copy(h_v.at[pl.ds(0, _BPW)],
                             h0_out.at[pl.ds(base, _BPW)], sem_st0)
    st_h1 = pltpu.async_copy(h_v.at[pl.ds(_BPW, _BPW)],
                             h1_out.at[pl.ds(base, _BPW)], sem_st1)
    cp_c.wait()
    st_c0 = pltpu.async_copy(c_v.at[pl.ds(0, _BPW)],
                             c0_out.at[pl.ds(base, _BPW)], sem_st2)
    st_c1 = pltpu.async_copy(c_v.at[pl.ds(_BPW, _BPW)],
                             c1_out.at[pl.ds(base, _BPW)], sem_st3)
    st_h0.wait()
    st_h1.wait()
    st_c0.wait()
    st_c1.wait()


@functools.cache
def _sc_gather():
    row = jax.ShapeDtypeStruct((B, H), jnp.float32)
    return pl.kernel(
        _sc_gather_body,
        out_type=[row, row, row, row],
        mesh=plsc.VectorSubcoreMesh(core_axis_name="c", subcore_axis_name="s",
                                    num_cores=_NC, num_subcores=_NS),
        scratch_types=[
            pltpu.VMEM((_BPW,), jnp.int32),
            pltpu.VMEM((2 * _BPW,), jnp.int32),
            pltpu.VMEM((2 * _BPW, H), jnp.float32),
            pltpu.VMEM((2 * _BPW, H), jnp.float32),
            pltpu.SemaphoreType.DMA,
            pltpu.SemaphoreType.DMA,
            pltpu.SemaphoreType.DMA,
            pltpu.SemaphoreType.DMA,
            pltpu.SemaphoreType.DMA,
            pltpu.SemaphoreType.DMA,
        ],
    )


def _dot_t(a, b):
    return lax.dot_general(a, b, (((1,), (1,)), ((), ())),
                           precision=lax.Precision.DEFAULT,
                           preferred_element_type=jnp.float32)


def _lstm_body(x_ref, h0_ref, h1_ref, c0_ref, c1_ref, op_ref,
               wih0_ref, whh0_ref, bih0_ref, bhh0_ref,
               wih1_ref, whh1_ref, bih1_ref, bhh1_ref,
               out_ref):
    def cell(x, h, c, wih, whh, bih, bhh):
        gates = _dot_t(x, wih) + _dot_t(h, whh) + (bih + bhh)
        i = gates[:, 0:H]
        f = gates[:, H:2 * H]
        g = gates[:, 2 * H:3 * H]
        o = gates[:, 3 * H:4 * H]
        c2 = jax.nn.sigmoid(f) * c + jax.nn.sigmoid(i) * jnp.tanh(g)
        h2 = jax.nn.sigmoid(o) * jnp.tanh(c2)
        return h2

    h1 = h1_ref[...]
    h2_0 = cell(x_ref[...], h0_ref[...], c0_ref[...],
                wih0_ref[...], whh0_ref[...], bih0_ref[...], bhh0_ref[...])
    h2_1 = cell(h2_0, h1, c1_ref[...],
                wih1_ref[...], whh1_ref[...], bih1_ref[...], bhh1_ref[...])

    out_ref[...] = jnp.where(op_ref[...] > 0, h2_1, h1)


_lstm = pl.pallas_call(
    _lstm_body,
    out_shape=jax.ShapeDtypeStruct((B, H), jnp.float32),
)


def kernel(input, hidden_stack, cell_stack, op, pos,
           W_ih0, W_hh0, b_ih0, b_hh0, W_ih1, W_hh1, b_ih1, b_hh1):
    hflat = jnp.transpose(hidden_stack, (0, 1, 3, 2)).reshape(NROWS, H)
    cflat = jnp.transpose(cell_stack, (0, 1, 3, 2)).reshape(NROWS, H)
    pos32 = pos.astype(jnp.int32)
    h0, h1, c0, c1 = _sc_gather()(hflat, cflat, pos32)

    opm = jnp.broadcast_to((op > 0)[:, None], (B, H)).astype(jnp.float32)
    return _lstm(input, h0, h1, c0, c1, opm,
                 W_ih0, W_hh0, b_ih0.reshape(1, 4 * H), b_hh0.reshape(1, 4 * H),
                 W_ih1, W_hh1, b_ih1.reshape(1, 4 * H), b_hh1.reshape(1, 4 * H))

# --- scband reference (transcript-rebuilt; emitter-appended) ---
"""Pipeline reference for scband-stack-lstm-87222195848024 (READ-ONLY COPY).

The authoritative reference and input builder live on the scoring server;
editing this copy changes nothing except your own understanding.
"""

import jax, jax.numpy as jnp
import numpy as np

B = 1024
H = 128
IN = 128
L = 2
S = 100


def setup_inputs(seed: int = 0) -> dict:
    key = jax.random.key(seed)
    ks = jax.random.split(key, 16)
    inp = {}
    inp['input'] = jax.random.normal(ks[0], (B, IN), dtype=jnp.float32)
    inp['hidden_stack'] = jax.random.normal(ks[1], (S + 1, B, H, L), dtype=jnp.float32) * 0.1
    inp['cell_stack'] = jax.random.normal(ks[2], (S + 1, B, H, L), dtype=jnp.float32) * 0.1
    inp['op'] = jax.random.randint(ks[3], (B,), 0, 2)
    inp['pos'] = jax.random.randint(ks[4], (B,), 0, S)
    sc = 0.05
    inp['W_ih0'] = jax.random.normal(ks[5], (4 * H, IN), dtype=jnp.float32) * sc
    inp['W_hh0'] = jax.random.normal(ks[6], (4 * H, H), dtype=jnp.float32) * sc
    inp['b_ih0'] = jax.random.normal(ks[7], (4 * H,), dtype=jnp.float32) * sc
    inp['b_hh0'] = jax.random.normal(ks[8], (4 * H,), dtype=jnp.float32) * sc
    inp['W_ih1'] = jax.random.normal(ks[9], (4 * H, H), dtype=jnp.float32) * sc
    inp['W_hh1'] = jax.random.normal(ks[10], (4 * H, H), dtype=jnp.float32) * sc
    inp['b_ih1'] = jax.random.normal(ks[11], (4 * H,), dtype=jnp.float32) * sc
    inp['b_hh1'] = jax.random.normal(ks[12], (4 * H,), dtype=jnp.float32) * sc
    return inp


def _lstm_cell(x, h, c, W_ih, W_hh, b_ih, b_hh):
    gates = x @ W_ih.T + b_ih + h @ W_hh.T + b_hh
    i, f, g, o = jnp.split(gates, 4, axis=1)
    c2 = jax.nn.sigmoid(f) * c + jax.nn.sigmoid(i) * jnp.tanh(g)
    h2 = jax.nn.sigmoid(o) * jnp.tanh(c2)
    return h2, c2


def reference(input, hidden_stack, cell_stack, op, pos, W_ih0, W_hh0, b_ih0, b_hh0, W_ih1, W_hh1, b_ih1, b_hh1):
    # StackLSTM.hold_or_push followed by top(): gather state at pos,
    # run multi-layer LSTM cell, scatter-overwrite at pos+1, advance pos by op,
    # then read top-of-stack last-layer hidden state.
    bidx = jnp.arange(input.shape[0])
    h_state = hidden_stack[pos, bidx]  # (B, H, L) batched_index_select
    c_state = cell_stack[pos, bidx]
    params = [(W_ih0, W_hh0, b_ih0, b_hh0), (W_ih1, W_hh1, b_ih1, b_hh1)]
    x = input
    nh, nc = [], []
    for l in range(L):
        h2, c2 = _lstm_cell(x, h_state[:, :, l], c_state[:, :, l], *params[l])
        nh.append(h2)
        nc.append(c2)
        x = h2
    next_hidden = jnp.stack(nh, axis=2)  # (B, H, L)
    next_cell = jnp.stack(nc, axis=2)
    hs = hidden_stack.at[pos + 1, bidx].set(next_hidden)
    cs = cell_stack.at[pos + 1, bidx].set(next_cell)
    new_pos = pos + op
    top = hs[new_pos, bidx][:, :, L - 1]  # (B, H)
    return top

if __name__ == "__main__":
    import jax
    _d = setup_inputs()
    print(jax.jit(kernel)(*tuple(_d.values())))

</pallas_src>

<mosaic_0001>
#map = affine_map<(d0, d1) -> (0, 0)>
#map1 = affine_map<(d0, d1) -> (0)>
module attributes {stable_mosaic.version = 14 : i64} {
  func.func @_sc_gather_body(%arg0: i32, %arg1: i32, %arg2: memref<206848x128xf32, #tpu.memory_space<hbm>>, %arg3: memref<206848x128xf32, #tpu.memory_space<hbm>>, %arg4: memref<1024xi32, #tpu.memory_space<hbm>>, %arg5: memref<1024x128xf32, #tpu.memory_space<hbm>>, %arg6: memref<1024x128xf32, #tpu.memory_space<hbm>>, %arg7: memref<1024x128xf32, #tpu.memory_space<hbm>>, %arg8: memref<1024x128xf32, #tpu.memory_space<hbm>>, %arg9: memref<32xi32, #tpu.memory_space<vmem>>, %arg10: memref<64xi32, #tpu.memory_space<vmem>>, %arg11: memref<64x128xf32, #tpu.memory_space<vmem>>, %arg12: memref<64x128xf32, #tpu.memory_space<vmem>>, %arg13: memref<!tpu.dma_semaphore, #tpu.memory_space<semaphore_mem>>, %arg14: memref<!tpu.dma_semaphore, #tpu.memory_space<semaphore_mem>>, %arg15: memref<!tpu.dma_semaphore, #tpu.memory_space<semaphore_mem>>, %arg16: memref<!tpu.dma_semaphore, #tpu.memory_space<semaphore_mem>>, %arg17: memref<!tpu.dma_semaphore, #tpu.memory_space<semaphore_mem>>, %arg18: memref<!tpu.dma_semaphore, #tpu.memory_space<semaphore_mem>>) attributes {dimension_semantics = [#tpu.dimension_semantics<core_parallel>, #tpu.dimension_semantics<subcore_parallel>], iteration_bounds = array<i64: 2, 16>, scalar_prefetch = 0 : i64, scratch_operands = 10 : i64, tpu.core_type = #tpu.core_type<sc_vector_subcore>, window_params = [{transform_indices = #map}, {transform_indices = #map}, {transform_indices = #map1}, {transform_indices = #map}, {transform_indices = #map}, {transform_indices = #map}, {transform_indices = #map}]} {
    %mul3A = arith.constant 2 : i32
    %mul3A_0 = arith.muli %arg1, %mul3A : i32
    %add3A = arith.addi %mul3A_0, %arg0 : i32
    %mul3A_1 = arith.constant 32 : i32
    %mul3A_2 = arith.muli %add3A, %mul3A_1 : i32
    "tpu.region"() ({
      %run_scoped3A = tpu.sem_alloc : memref<!tpu.dma_semaphore, #tpu.memory_space<semaphore_mem>>
      %dma_start3A_148 = tpu.memref_slice %arg4[%mul3A_2] : memref<1024xi32, #tpu.memory_space<hbm>> -> memref<32xi32, #tpu.memory_space<hbm>>
      %dma_start3A_149 = tpu.memref_slice %arg4[%mul3A_2] : memref<1024xi32, #tpu.memory_space<hbm>> -> memref<32xi32, #tpu.memory_space<hbm>>
      tpu.enqueue_dma source(%dma_start3A_149 : memref<32xi32, #tpu.memory_space<hbm>>) target(%arg9 : memref<32xi32, #tpu.memory_space<vmem>>) target_semaphore(%run_scoped3A : memref<!tpu.dma_semaphore, #tpu.memory_space<semaphore_mem>>)
      %dma_wait3A_150 = tpu.memref_slice %arg4[%mul3A_2] : memref<1024xi32, #tpu.memory_space<hbm>> -> memref<32xi32, #tpu.memory_space<hbm>>
      %dma_wait3A_151 = tpu.memref_slice %arg4[%mul3A_2] : memref<1024xi32, #tpu.memory_space<hbm>> -> memref<32xi32, #tpu.memory_space<hbm>>
      tpu.wait_dma2 semaphore(%run_scoped3A : memref<!tpu.dma_semaphore, #tpu.memory_space<semaphore_mem>>) src(%dma_wait3A_151 : memref<32xi32, #tpu.memory_space<hbm>>) dst(%arg9 : memref<32xi32, #tpu.memory_space<vmem>>)
      tpu.yield
    }) : () -> ()
    %get3A = arith.constant 0 : index
    %get3A_3 = tpu.vector_load %arg9[%get3A] {strides = array<i32>} : memref<32xi32, #tpu.memory_space<vmem>>, vector<16xi32>,
    %get3A_4 = vector.shape_cast %get3A_3 : vector<16xi32> to vector<16xi32>
    %iota3A = tpu.iota {dimensions = array<i32: 0>} : vector<16xi32>
    %mul3A_5 = arith.constant 1024 : i32
    %mul3A_6 = vector.broadcast %mul3A_5 : i32 to vector<16xi32>
    %mul3A_7 = arith.muli %get3A_4, %mul3A_6 : vector<16xi32>
    %add3A_8 = arith.constant 0 : i32
    %add3A_9 = arith.addi %mul3A_2, %add3A_8 : i32
    %add3A_10 = vector.broadcast %add3A_9 : i32 to vector<16xi32>
    %add3A_11 = arith.addi %mul3A_7, %add3A_10 : vector<16xi32>
    %add3A_12 = arith.addi %add3A_11, %iota3A : vector<16xi32>
    %mul3A_13 = arith.constant 2 : i32
    %mul3A_14 = vector.broadcast %mul3A_13 : i32 to vector<16xi32>
    %mul3A_15 = arith.muli %mul3A_14, %add3A_12 : vector<16xi32>
    %swap3A = arith.constant 0 : index
    %swap3A_16 = tpu.vector_load %arg10[%swap3A] {strides = array<i32>} : memref<64xi32, #tpu.memory_space<vmem>>, vector<16xi32>,
    %swap3A_17 = vector.shape_cast %swap3A_16 : vector<16xi32> to vector<16xi32>
    %swap3A_18 = vector.shape_cast %mul3A_15 : vector<16xi32> to vector<16xi32>
    tpu.vector_store %arg10[%swap3A], %swap3A_18 {strides = array<i32>} : memref<64xi32, #tpu.memory_space<vmem>>, vector<16xi32>,
    %mul3A_19 = arith.constant 2 : i32
    %mul3A_20 = vector.broadcast %mul3A_19 : i32 to vector<16xi32>
    %mul3A_21 = arith.muli %mul3A_20, %add3A_12 : vector<16xi32>
    %add3A_22 = arith.constant 1 : i32
    %add3A_23 = vector.broadcast %add3A_22 : i32 to vector<16xi32>
    %add3A_24 = arith.addi %mul3A_21, %add3A_23 : vector<16xi32>
    %swap3A_25 = arith.constant 32 : index
    %swap3A_26 = tpu.vector_load %arg10[%swap3A_25] {strides = array<i32>} : memref<64xi32, #tpu.memory_space<vmem>>, vector<16xi32>,
    %swap3A_27 = vector.shape_cast %swap3A_26 : vector<16xi32> to vector<16xi32>
    %swap3A_28 = vector.shape_cast %add3A_24 : vector<16xi32> to vector<16xi32>
    tpu.vector_store %arg10[%swap3A_25], %swap3A_28 {strides = array<i32>} : memref<64xi32, #tpu.memory_space<vmem>>, vector<16xi32>,
    %get3A_29 = arith.constant 16 : index
    %get3A_30 = tpu.vector_load %arg9[%get3A_29] {strides = array<i32>} : memref<32xi32, #tpu.memory_space<vmem>>, vector<16xi32>,
    %get3A_31 = vector.shape_cast %get3A_30 : vector<16xi32> to vector<16xi32>
    %iota3A_32 = tpu.iota {dimensions = array<i32: 0>} : vector<16xi32>
    %mul3A_33 = arith.constant 1024 : i32
    %mul3A_34 = vector.broadcast %mul3A_33 : i32 to vector<16xi32>
    %mul3A_35 = arith.muli %get3A_31, %mul3A_34 : vector<16xi32>
    %add3A_36 = arith.constant 16 : i32
    %add3A_37 = arith.addi %mul3A_2, %add3A_36 : i32
    %add3A_38 = vector.broadcast %add3A_37 : i32 to vector<16xi32>
    %add3A_39 = arith.addi %mul3A_35, %add3A_38 : vector<16xi32>
    %add3A_40 = arith.addi %add3A_39, %iota3A_32 : vector<16xi32>
    %mul3A_41 = arith.constant 2 : i32
    %mul3A_42 = vector.broadcast %mul3A_41 : i32 to vector<16xi32>
    %mul3A_43 = arith.muli %mul3A_42, %add3A_40 : vector<16xi32>
    %swap3A_44 = arith.constant 16 : index
    %swap3A_45 = tpu.vector_load %arg10[%swap3A_44] {strides = array<i32>} : memref<64xi32, #tpu.memory_space<vmem>>, vector<16xi32>,
    %swap3A_46 = vector.shape_cast %swap3A_45 : vector<16xi32> to vector<16xi32>
    %swap3A_47 = vector.shape_cast %mul3A_43 : vector<16xi32> to vector<16xi32>
    tpu.vector_store %arg10[%swap3A_44], %swap3A_47 {strides = array<i32>} : memref<64xi32, #tpu.memory_space<vmem>>, vector<16xi32>,
    %mul3A_48 = arith.constant 2 : i32
    %mul3A_49 = vector.broadcast %mul3A_48 : i32 to vector<16xi32>
    %mul3A_50 = arith.muli %mul3A_49, %add3A_40 : vector<16xi32>
    %add3A_51 = arith.constant 1 : i32
    %add3A_52 = vector.broadcast %add3A_51 : i32 to vector<16xi32>
    %add3A_53 = arith.addi %mul3A_50, %add3A_52 : vector<16xi32>
    %swap3A_54 = arith.constant 48 : index
    %swap3A_55 = tpu.vector_load %arg10[%swap3A_54] {strides = array<i32>} : memref<64xi32, #tpu.memory_space<vmem>>, vector<16xi32>,
    %swap3A_56 = vector.shape_cast %swap3A_55 : vector<16xi32> to vector<16xi32>
    %swap3A_57 = vector.shape_cast %add3A_53 : vector<16xi32> to vector<16xi32>
    tpu.vector_store %arg10[%swap3A_54], %swap3A_57 {strides = array<i32>} : memref<64xi32, #tpu.memory_space<vmem>>, vector<16xi32>,
    %dma_start3A = arith.constant 0 : i32
    %dma_start3A_58 = arith.constant 0 : i32
    %dma_start3A_59 = tpu.memref_slice %arg2[%dma_start3A, %dma_start3A_58] : memref<206848x128xf32, #tpu.memory_space<hbm>> -> memref<206848x128xf32, #tpu.memory_space<hbm>>
    tpu.enqueue_indirect_dma source(%dma_start3A_59 : memref<206848x128xf32, #tpu.memory_space<hbm>>) target(%arg11 : memref<64x128xf32, #tpu.memory_space<vmem>>) offsets(%arg10 : memref<64xi32, #tpu.memory_space<vmem>>) semaphore(%arg13 : memref<!tpu.dma_semaphore, #tpu.memory_space<semaphore_mem>>)
    %dma_start3A_60 = arith.constant 0 : i32
    %dma_start3A_61 = arith.constant 0 : i32
    %dma_start3A_62 = tpu.memref_slice %arg3[%dma_start3A_60, %dma_start3A_61] : memref<206848x128xf32, #tpu.memory_space<hbm>> -> memref<206848x128xf32, #tpu.memory_space<hbm>>
    tpu.enqueue_indirect_dma source(%dma_start3A_62 : memref<206848x128xf32, #tpu.memory_space<hbm>>) target(%arg12 : memref<64x128xf32, #tpu.memory_space<vmem>>) offsets(%arg10 : memref<64xi32, #tpu.memory_space<vmem>>) semaphore(%arg14 : memref<!tpu.dma_semaphore, #tpu.memory_space<semaphore_mem>>)
    %dma_wait3A = arith.constant 0 : i32
    %dma_wait3A_63 = arith.constant 0 : i32
    %dma_wait3A_64 = tpu.memref_slice %arg2[%dma_wait3A, %dma_wait3A_63] : memref<206848x128xf32, #tpu.memory_space<hbm>> -> memref<206848x128xf32, #tpu.memory_space<hbm>>
    tpu.wait_indirect_dma semaphore(%arg13 : memref<!tpu.dma_semaphore, #tpu.memory_space<semaphore_mem>>) src(%dma_wait3A_64 : memref<206848x128xf32, #tpu.memory_space<hbm>>) dst(%arg11 : memref<64x128xf32, #tpu.memory_space<vmem>>)
    %dma_start3A_65 = arith.constant 0 : i32
    %dma_start3A_66 = arith.constant 0 : i32
    %dma_start3A_67 = tpu.memref_slice %arg11[%dma_start3A_65, %dma_start3A_66] : memref<64x128xf32, #tpu.memory_space<vmem>> -> memref<32x128xf32, #tpu.memory_space<vmem>>
    %dma_start3A_68 = arith.constant 0 : i32
    %dma_start3A_69 = tpu.memref_slice %arg5[%mul3A_2, %dma_start3A_68] : memref<1024x128xf32, #tpu.memory_space<hbm>> -> memref<32x128xf32, #tpu.memory_space<hbm>>
    %dma_start3A_70 = arith.constant 0 : i32
    %dma_start3A_71 = tpu.memref_slice %arg5[%mul3A_2, %dma_start3A_70] : memref<1024x128xf32, #tpu.memory_space<hbm>> -> memref<32x128xf32, #tpu.memory_space<hbm>>
    %dma_start3A_72 = arith.constant 0 : i32
    %dma_start3A_73 = arith.constant 0 : i32
    %dma_start3A_74 = tpu.memref_slice %arg11[%dma_start3A_72, %dma_start3A_73] : memref<64x128xf32, #tpu.memory_space<vmem>> -> memref<32x128xf32, #tpu.memory_space<vmem>>
    tpu.enqueue_dma source(%dma_start3A_74 : memref<32x128xf32, #tpu.memory_space<vmem>>) target(%dma_start3A_71 : memref<32x128xf32, #tpu.memory_space<hbm>>) target_semaphore(%arg15 : memref<!tpu.dma_semaphore, #tpu.memory_space<semaphore_mem>>)
    %dma_start3A_75 = arith.constant 32 : i32
    %dma_start3A_76 = arith.constant 0 : i32
    %dma_start3A_77 = tpu.memref_slice %arg11[%dma_start3A_75, %dma_start3A_76] : memref<64x128xf32, #tpu.memory_space<vmem>> -> memref<32x128xf32, #tpu.memory_space<vmem>>
    %dma_start3A_78 = arith.constant 0 : i32
    %dma_start3A_79 = tpu.memref_slice %arg6[%mul3A_2, %dma_start3A_78] : memref<1024x128xf32, #tpu.memory_space<hbm>> -> memref<32x128xf32, #tpu.memory_space<hbm>>
    %dma_start3A_80 = arith.constant 0 : i32
    %dma_start3A_81 = tpu.memref_slice %arg6[%mul3A_2, %dma_start3A_80] : memref<1024x128xf32, #tpu.memory_space<hbm>> -> memref<32x128xf32, #tpu.memory_space<hbm>>
    %dma_start3A_82 = arith.constant 32 : i32
    %dma_start3A_83 = arith.constant 0 : i32
    %dma_start3A_84 = tpu.memref_slice %arg11[%dma_start3A_82, %dma_start3A_83] : memref<64x128xf32, #tpu.memory_space<vmem>> -> memref<32x128xf32, #tpu.memory_space<vmem>>
    tpu.enqueue_dma source(%dma_start3A_84 : memref<32x128xf32, #tpu.memory_space<vmem>>) target(%dma_start3A_81 : memref<32x128xf32, #tpu.memory_space<hbm>>) target_semaphore(%arg16 : memref<!tpu.dma_semaphore, #tpu.memory_space<semaphore_mem>>)
    %dma_wait3A_85 = arith.constant 0 : i32
    %dma_wait3A_86 = arith.constant 0 : i32
    %dma_wait3A_87 = tpu.memref_slice %arg3[%dma_wait3A_85, %dma_wait3A_86] : memref<206848x128xf32, #tpu.memory_space<hbm>> -> memref<206848x128xf32, #tpu.memory_space<hbm>>
    tpu.wait_indirect_dma semaphore(%arg14 : memref<!tpu.dma_semaphore, #tpu.memory_space<semaphore_mem>>) src(%dma_wait3A_87 : memref<206848x128xf32, #tpu.memory_space<hbm>>) dst(%arg12 : memref<64x128xf32, #tpu.memory_space<vmem>>)
    %dma_start3A_88 = arith.constant 0 : i32
    %dma_start3A_89 = arith.constant 0 : i32
    %dma_start3A_90 = tpu.memref_slice %arg12[%dma_start3A_88, %dma_start3A_89] : memref<64x128xf32, #tpu.memory_space<vmem>> -> memref<32x128xf32, #tpu.memory_space<vmem>>
    %dma_start3A_91 = arith.constant 0 : i32
    %dma_start3A_92 = tpu.memref_slice %arg7[%mul3A_2, %dma_start3A_91] : memref<1024x128xf32, #tpu.memory_space<hbm>> -> memref<32x128xf32, #tpu.memory_space<hbm>>
    %dma_start3A_93 = arith.constant 0 : i32
    %dma_start3A_94 = tpu.memref_slice %arg7[%mul3A_2, %dma_start3A_93] : memref<1024x128xf32, #tpu.memory_space<hbm>> -> memref<32x128xf32, #tpu.memory_space<hbm>>
    %dma_start3A_95 = arith.constant 0 : i32
    %dma_start3A_96 = arith.constant 0 : i32
    %dma_start3A_97 = tpu.memref_slice %arg12[%dma_start3A_95, %dma_start3A_96] : memref<64x128xf32, #tpu.memory_space<vmem>> -> memref<32x128xf32, #tpu.memory_space<vmem>>
    tpu.enqueue_dma source(%dma_start3A_97 : memref<32x128xf32, #tpu.memory_space<vmem>>) target(%dma_start3A_94 : memref<32x128xf32, #tpu.memory_space<hbm>>) target_semaphore(%arg17 : memref<!tpu.dma_semaphore, #tpu.memory_space<semaphore_mem>>)
    %dma_start3A_98 = arith.constant 32 : i32
    %dma_start3A_99 = arith.constant 0 : i32
    %dma_start3A_100 = tpu.memref_slice %arg12[%dma_start3A_98, %dma_start3A_99] : memref<64x128xf32, #tpu.memory_space<vmem>> -> memref<32x128xf32, #tpu.memory_space<vmem>>
    %dma_start3A_101 = arith.constant 0 : i32
    %dma_start3A_102 = tpu.memref_slice %arg8[%mul3A_2, %dma_start3A_101] : memref<1024x128xf32, #tpu.memory_space<hbm>> -> memref<32x128xf32, #tpu.memory_space<hbm>>
    %dma_start3A_103 = arith.constant 0 : i32
    %dma_start3A_104 = tpu.memref_slice %arg8[%mul3A_2, %dma_start3A_103] : memref<1024x128xf32, #tpu.memory_space<hbm>> -> memref<32x128xf32, #tpu.memory_space<hbm>>
    %dma_start3A_105 = arith.constant 32 : i32
    %dma_start3A_106 = arith.constant 0 : i32
    %dma_start3A_107 = tpu.memref_slice %arg12[%dma_start3A_105, %dma_start3A_106] : memref<64x128xf32, #tpu.memory_space<vmem>> -> memref<32x128xf32, #tpu.memory_space<vmem>>
    tpu.enqueue_dma source(%dma_start3A_107 : memref<32x128xf32, #tpu.memory_space<vmem>>) target(%dma_start3A_104 : memref<32x128xf32, #tpu.memory_space<hbm>>) target_semaphore(%arg18 : memref<!tpu.dma_semaphore, #tpu.memory_space<semaphore_mem>>)
    %dma_wait3A_108 = arith.constant 0 : i32
    %dma_wait3A_109 = arith.constant 0 : i32
    %dma_wait3A_110 = tpu.memref_slice %arg11[%dma_wait3A_108, %dma_wait3A_109] : memref<64x128xf32, #tpu.memory_space<vmem>> -> memref<32x128xf32, #tpu.memory_space<vmem>>
    %dma_wait3A_111 = arith.constant 0 : i32
    %dma_wait3A_112 = tpu.memref_slice %arg5[%mul3A_2, %dma_wait3A_111] : memref<1024x128xf32, #tpu.memory_space<hbm>> -> memref<32x128xf32, #tpu.memory_space<hbm>>
    %dma_wait3A_113 = arith.constant 0 : i32
    %dma_wait3A_114 = tpu.memref_slice %arg5[%mul3A_2, %dma_wait3A_113] : memref<1024x128xf32, #tpu.memory_space<hbm>> -> memref<32x128xf32, #tpu.memory_space<hbm>>
    %dma_wait3A_115 = arith.constant 0 : i32
    %dma_wait3A_116 = arith.constant 0 : i32
    %dma_wait3A_117 = tpu.memref_slice %arg11[%dma_wait3A_115, %dma_wait3A_116] : memref<64x128xf32, #tpu.memory_space<vmem>> -> memref<32x128xf32, #tpu.memory_space<vmem>>
    tpu.wait_dma2 semaphore(%arg15 : memref<!tpu.dma_semaphore, #tpu.memory_space<semaphore_mem>>) src(%dma_wait3A_117 : memref<32x128xf32, #tpu.memory_space<vmem>>) dst(%dma_wait3A_114 : memref<32x128xf32, #tpu.memory_space<hbm>>)
    %dma_wait3A_118 = arith.constant 32 : i32
    %dma_wait3A_119 = arith.constant 0 : i32
    %dma_wait3A_120 = tpu.memref_slice %arg11[%dma_wait3A_118, %dma_wait3A_119] : memref<64x128xf32, #tpu.memory_space<vmem>> -> memref<32x128xf32, #tpu.memory_space<vmem>>
    %dma_wait3A_121 = arith.constant 0 : i32
    %dma_wait3A_122 = tpu.memref_slice %arg6[%mul3A_2, %dma_wait3A_121] : memref<1024x128xf32, #tpu.memory_space<hbm>> -> memref<32x128xf32, #tpu.memory_space<hbm>>
    %dma_wait3A_123 = arith.constant 0 : i32
    %dma_wait3A_124 = tpu.memref_slice %arg6[%mul3A_2, %dma_wait3A_123] : memref<1024x128xf32, #tpu.memory_space<hbm>> -> memref<32x128xf32, #tpu.memory_space<hbm>>
    %dma_wait3A_125 = arith.constant 32 : i32
    %dma_wait3A_126 = arith.constant 0 : i32
    %dma_wait3A_127 = tpu.memref_slice %arg11[%dma_wait3A_125, %dma_wait3A_126] : memref<64x128xf32, #tpu.memory_space<vmem>> -> memref<32x128xf32, #tpu.memory_space<vmem>>
    tpu.wait_dma2 semaphore(%arg16 : memref<!tpu.dma_semaphore, #tpu.memory_space<semaphore_mem>>) src(%dma_wait3A_127 : memref<32x128xf32, #tpu.memory_space<vmem>>) dst(%dma_wait3A_124 : memref<32x128xf32, #tpu.memory_space<hbm>>)
    %dma_wait3A_128 = arith.constant 0 : i32
    %dma_wait3A_129 = arith.constant 0 : i32
    %dma_wait3A_130 = tpu.memref_slice %arg12[%dma_wait3A_128, %dma_wait3A_129] : memref<64x128xf32, #tpu.memory_space<vmem>> -> memref<32x128xf32, #tpu.memory_space<vmem>>
    %dma_wait3A_131 = arith.constant 0 : i32
    %dma_wait3A_132 = tpu.memref_slice %arg7[%mul3A_2, %dma_wait3A_131] : memref<1024x128xf32, #tpu.memory_space<hbm>> -> memref<32x128xf32, #tpu.memory_space<hbm>>
    %dma_wait3A_133 = arith.constant 0 : i32
    %dma_wait3A_134 = tpu.memref_slice %arg7[%mul3A_2, %dma_wait3A_133] : memref<1024x128xf32, #tpu.memory_space<hbm>> -> memref<32x128xf32, #tpu.memory_space<hbm>>
    %dma_wait3A_135 = arith.constant 0 : i32
    %dma_wait3A_136 = arith.constant 0 : i32
    %dma_wait3A_137 = tpu.memref_slice %arg12[%dma_wait3A_135, %dma_wait3A_136] : memref<64x128xf32, #tpu.memory_space<vmem>> -> memref<32x128xf32, #tpu.memory_space<vmem>>
    tpu.wait_dma2 semaphore(%arg17 : memref<!tpu.dma_semaphore, #tpu.memory_space<semaphore_mem>>) src(%dma_wait3A_137 : memref<32x128xf32, #tpu.memory_space<vmem>>) dst(%dma_wait3A_134 : memref<32x128xf32, #tpu.memory_space<hbm>>)
    %dma_wait3A_138 = arith.constant 32 : i32
    %dma_wait3A_139 = arith.constant 0 : i32
    %dma_wait3A_140 = tpu.memref_slice %arg12[%dma_wait3A_138, %dma_wait3A_139] : memref<64x128xf32, #tpu.memory_space<vmem>> -> memref<32x128xf32, #tpu.memory_space<vmem>>
    %dma_wait3A_141 = arith.constant 0 : i32
    %dma_wait3A_142 = tpu.memref_slice %arg8[%mul3A_2, %dma_wait3A_141] : memref<1024x128xf32, #tpu.memory_space<hbm>> -> memref<32x128xf32, #tpu.memory_space<hbm>>
    %dma_wait3A_143 = arith.constant 0 : i32
    %dma_wait3A_144 = tpu.memref_slice %arg8[%mul3A_2, %dma_wait3A_143] : memref<1024x128xf32, #tpu.memory_space<hbm>> -> memref<32x128xf32, #tpu.memory_space<hbm>>
    %dma_wait3A_145 = arith.constant 32 : i32
    %dma_wait3A_146 = arith.constant 0 : i32
    %dma_wait3A_147 = tpu.memref_slice %arg12[%dma_wait3A_145, %dma_wait3A_146] : memref<64x128xf32, #tpu.memory_space<vmem>> -> memref<32x128xf32, #tpu.memory_space<vmem>>
    tpu.wait_dma2 semaphore(%arg18 : memref<!tpu.dma_semaphore, #tpu.memory_space<semaphore_mem>>) src(%dma_wait3A_147 : memref<32x128xf32, #tpu.memory_space<vmem>>) dst(%dma_wait3A_144 : memref<32x128xf32, #tpu.memory_space<hbm>>)
    return
  }
}

module attributes {stable_mosaic.version = 14 : i64} {
  func.func @_lstm_body(%arg0: memref<1024x128xf32, #tpu.memory_space<vmem>>, %arg1: memref<1024x128xf32, #tpu.memory_space<vmem>>, %arg2: memref<1024x128xf32, #tpu.memory_space<vmem>>, %arg3: memref<1024x128xf32, #tpu.memory_space<vmem>>, %arg4: memref<1024x128xf32, #tpu.memory_space<vmem>>, %arg5: memref<1024x128xf32, #tpu.memory_space<vmem>>, %arg6: memref<512x128xf32, #tpu.memory_space<vmem>>, %arg7: memref<512x128xf32, #tpu.memory_space<vmem>>, %arg8: memref<1x512xf32, #tpu.memory_space<vmem>>, %arg9: memref<1x512xf32, #tpu.memory_space<vmem>>, %arg10: memref<512x128xf32, #tpu.memory_space<vmem>>, %arg11: memref<512x128xf32, #tpu.memory_space<vmem>>, %arg12: memref<1x512xf32, #tpu.memory_space<vmem>>, %arg13: memref<1x512xf32, #tpu.memory_space<vmem>>, %arg14: memref<1024x128xf32, #tpu.memory_space<vmem>>) attributes {dimension_semantics = [], scalar_prefetch = 0 : i64, scratch_operands = 0 : i64, tpu.core_type = #tpu.core_type<tc>} {
    %get3A = arith.constant 0 : index
    %get3A_0 = arith.constant 0 : index
    %get3A_1 = vector.load %arg2[%get3A, %get3A_0] : memref<1024x128xf32, #tpu.memory_space<vmem>>, vector<1024x128xf32>
    %get3A_2 = arith.constant 0 : index
    %get3A_3 = arith.constant 0 : index
    %get3A_4 = vector.load %arg0[%get3A_2, %get3A_3] : memref<1024x128xf32, #tpu.memory_space<vmem>>, vector<1024x128xf32>
    %get3A_5 = arith.constant 0 : index
    %get3A_6 = arith.constant 0 : index
    %get3A_7 = vector.load %arg1[%get3A_5, %get3A_6] : memref<1024x128xf32, #tpu.memory_space<vmem>>, vector<1024x128xf32>
    %get3A_8 = arith.constant 0 : index
    %get3A_9 = arith.constant 0 : index
    %get3A_10 = vector.load %arg3[%get3A_8, %get3A_9] : memref<1024x128xf32, #tpu.memory_space<vmem>>, vector<1024x128xf32>
    %get3A_11 = arith.constant 0 : index
    %get3A_12 = arith.constant 0 : index
    %get3A_13 = vector.load %arg6[%get3A_11, %get3A_12] : memref<512x128xf32, #tpu.memory_space<vmem>>, vector<512x128xf32>
    %get3A_14 = arith.constant 0 : index
    %get3A_15 = arith.constant 0 : index
    %get3A_16 = vector.load %arg7[%get3A_14, %get3A_15] : memref<512x128xf32, #tpu.memory_space<vmem>>, vector<512x128xf32>
    %get3A_17 = arith.constant 0 : index
    %get3A_18 = arith.constant 0 : index
    %get3A_19 = vector.load %arg8[%get3A_17, %get3A_18] : memref<1x512xf32, #tpu.memory_space<vmem>>, vector<1x512xf32>
    %get3A_20 = arith.constant 0 : index
    %get3A_21 = arith.constant 0 : index
    %get3A_22 = vector.load %arg9[%get3A_20, %get3A_21] : memref<1x512xf32, #tpu.memory_space<vmem>>, vector<1x512xf32>
    %dot_general3A = arith.constant dense<0.000000e+00> : vector<1024x512xf32>
    %dot_general3A_23 = tpu.matmul %get3A_4, %get3A_13, %dot_general3A {dimension_numbers = #tpu.dot_dimension_numbers<[1], [1], [0], [0], [0, 0, 1, 0], [], []>, transpose_lhs_hint = false} : vector<1024x128xf32>, vector<512x128xf32>, vector<1024x512xf32> -> vector<1024x512xf32>
    %dot_general3A_24 = arith.constant dense<0.000000e+00> : vector<1024x512xf32>
    %dot_general3A_25 = tpu.matmul %get3A_7, %get3A_16, %dot_general3A_24 {dimension_numbers = #tpu.dot_dimension_numbers<[1], [1], [0], [0], [0, 0, 1, 0], [], []>, transpose_lhs_hint = false} : vector<1024x128xf32>, vector<512x128xf32>, vector<1024x512xf32> -> vector<1024x512xf32>
    %add3A = arith.addf %dot_general3A_23, %dot_general3A_25 : vector<1024x512xf32>
    %add3A_26 = arith.addf %get3A_19, %get3A_22 : vector<1x512xf32>
    %add3A_27 = vector.broadcast %add3A_26 : vector<1x512xf32> to vector<1024x512xf32>
    %add3A_28 = arith.addf %add3A, %add3A_27 : vector<1024x512xf32>
    %slice3A = vector.extract_strided_slice %add3A_28 {offsets = [0, 0], sizes = [1024, 128], strides = [1, 1]} : vector<1024x512xf32> to vector<1024x128xf32>
    %slice3A_29 = vector.extract_strided_slice %add3A_28 {offsets = [0, 128], sizes = [1024, 128], strides = [1, 1]} : vector<1024x512xf32> to vector<1024x128xf32>
    %slice3A_30 = vector.extract_strided_slice %add3A_28 {offsets = [0, 256], sizes = [1024, 128], strides = [1, 1]} : vector<1024x512xf32> to vector<1024x128xf32>
    %slice3A_31 = vector.extract_strided_slice %add3A_28 {offsets = [0, 384], sizes = [1024, 128], strides = [1, 1]} : vector<1024x512xf32> to vector<1024x128xf32>
    %logistic3A = arith.negf %slice3A_29 : vector<1024x128xf32>
    %logistic3A_32 = math.exp %logistic3A : vector<1024x128xf32>
    %logistic3A_33 = arith.constant 1.000000e+00 : f32
    %logistic3A_34 = vector.broadcast %logistic3A_33 : f32 to vector<1024x128xf32>
    %logistic3A_35 = arith.addf %logistic3A_34, %logistic3A_32 : vector<1024x128xf32>
    %logistic3A_36 = arith.divf %logistic3A_34, %logistic3A_35 : vector<1024x128xf32>
    %mul3A = arith.mulf %logistic3A_36, %get3A_10 : vector<1024x128xf32>
    %logistic3A_37 = arith.negf %slice3A : vector<1024x128xf32>
    %logistic3A_38 = math.exp %logistic3A_37 : vector<1024x128xf32>
    %logistic3A_39 = arith.constant 1.000000e+00 : f32
    %logistic3A_40 = vector.broadcast %logistic3A_39 : f32 to vector<1024x128xf32>
    %logistic3A_41 = arith.addf %logistic3A_40, %logistic3A_38 : vector<1024x128xf32>
    %logistic3A_42 = arith.divf %logistic3A_40, %logistic3A_41 : vector<1024x128xf32>
    %tanh3A = math.tanh %slice3A_30 : vector<1024x128xf32>
    %mul3A_43 = arith.mulf %logistic3A_42, %tanh3A : vector<1024x128xf32>
    %add3A_44 = arith.addf %mul3A, %mul3A_43 : vector<1024x128xf32>
    %logistic3A_45 = arith.negf %slice3A_31 : vector<1024x128xf32>
    %logistic3A_46 = math.exp %logistic3A_45 : vector<1024x128xf32>
    %logistic3A_47 = arith.constant 1.000000e+00 : f32
    %logistic3A_48 = vector.broadcast %logistic3A_47 : f32 to vector<1024x128xf32>
    %logistic3A_49 = arith.addf %logistic3A_48, %logistic3A_46 : vector<1024x128xf32>
    %logistic3A_50 = arith.divf %logistic3A_48, %logistic3A_49 : vector<1024x128xf32>
    %tanh3A_51 = math.tanh %add3A_44 : vector<1024x128xf32>
    %mul3A_52 = arith.mulf %logistic3A_50, %tanh3A_51 : vector<1024x128xf32>
    %get3A_53 = arith.constant 0 : index
    %get3A_54 = arith.constant 0 : index
    %get3A_55 = vector.load %arg4[%get3A_53, %get3A_54] : memref<1024x128xf32, #tpu.memory_space<vmem>>, vector<1024x128xf32>
    %get3A_56 = arith.constant 0 : index
    %get3A_57 = arith.constant 0 : index
    %get3A_58 = vector.load %arg10[%get3A_56, %get3A_57] : memref<512x128xf32, #tpu.memory_space<vmem>>, vector<512x128xf32>
    %get3A_59 = arith.constant 0 : index
    %get3A_60 = arith.constant 0 : index
    %get3A_61 = vector.load %arg11[%get3A_59, %get3A_60] : memref<512x128xf32, #tpu.memory_space<vmem>>, vector<512x128xf32>
    %get3A_62 = arith.constant 0 : index
    %get3A_63 = arith.constant 0 : index
    %get3A_64 = vector.load %arg12[%get3A_62, %get3A_63] : memref<1x512xf32, #tpu.memory_space<vmem>>, vector<1x512xf32>
    %get3A_65 = arith.constant 0 : index
    %get3A_66 = arith.constant 0 : index
    %get3A_67 = vector.load %arg13[%get3A_65, %get3A_66] : memref<1x512xf32, #tpu.memory_space<vmem>>, vector<1x512xf32>
    %dot_general3A_68 = arith.constant dense<0.000000e+00> : vector<1024x512xf32>
    %dot_general3A_69 = tpu.matmul %mul3A_52, %get3A_58, %dot_general3A_68 {dimension_numbers = #tpu.dot_dimension_numbers<[1], [1], [0], [0], [0, 0, 1, 0], [], []>, transpose_lhs_hint = false} : vector<1024x128xf32>, vector<512x128xf32>, vector<1024x512xf32> -> vector<1024x512xf32>
    %dot_general3A_70 = arith.constant dense<0.000000e+00> : vector<1024x512xf32>
    %dot_general3A_71 = tpu.matmul %get3A_1, %get3A_61, %dot_general3A_70 {dimension_numbers = #tpu.dot_dimension_numbers<[1], [1], [0], [0], [0, 0, 1, 0], [], []>, transpose_lhs_hint = false} : vector<1024x128xf32>, vector<512x128xf32>, vector<1024x512xf32> -> vector<1024x512xf32>
    %add3A_72 = arith.addf %dot_general3A_69, %dot_general3A_71 : vector<1024x512xf32>
    %add3A_73 = arith.addf %get3A_64, %get3A_67 : vector<1x512xf32>
    %add3A_74 = vector.broadcast %add3A_73 : vector<1x512xf32> to vector<1024x512xf32>
    %add3A_75 = arith.addf %add3A_72, %add3A_74 : vector<1024x512xf32>
    %slice3A_76 = vector.extract_strided_slice %add3A_75 {offsets = [0, 0], sizes = [1024, 128], strides = [1, 1]} : vector<1024x512xf32> to vector<1024x128xf32>
    %slice3A_77 = vector.extract_strided_slice %add3A_75 {offsets = [0, 128], sizes = [1024, 128], strides = [1, 1]} : vector<1024x512xf32> to vector<1024x128xf32>
    %slice3A_78 = vector.extract_strided_slice %add3A_75 {offsets = [0, 256], sizes = [1024, 128], strides = [1, 1]} : vector<1024x512xf32> to vector<1024x128xf32>
    %slice3A_79 = vector.extract_strided_slice %add3A_75 {offsets = [0, 384], sizes = [1024, 128], strides = [1, 1]} : vector<1024x512xf32> to vector<1024x128xf32>
    %logistic3A_80 = arith.negf %slice3A_77 : vector<1024x128xf32>
    %logistic3A_81 = math.exp %logistic3A_80 : vector<1024x128xf32>
    %logistic3A_82 = arith.constant 1.000000e+00 : f32
    %logistic3A_83 = vector.broadcast %logistic3A_82 : f32 to vector<1024x128xf32>
    %logistic3A_84 = arith.addf %logistic3A_83, %logistic3A_81 : vector<1024x128xf32>
    %logistic3A_85 = arith.divf %logistic3A_83, %logistic3A_84 : vector<1024x128xf32>
    %mul3A_86 = arith.mulf %logistic3A_85, %get3A_55 : vector<1024x128xf32>
    %logistic3A_87 = arith.negf %slice3A_76 : vector<1024x128xf32>
    %logistic3A_88 = math.exp %logistic3A_87 : vector<1024x128xf32>
    %logistic3A_89 = arith.constant 1.000000e+00 : f32
    %logistic3A_90 = vector.broadcast %logistic3A_89 : f32 to vector<1024x128xf32>
    %logistic3A_91 = arith.addf %logistic3A_90, %logistic3A_88 : vector<1024x128xf32>
    %logistic3A_92 = arith.divf %logistic3A_90, %logistic3A_91 : vector<1024x128xf32>
    %tanh3A_93 = math.tanh %slice3A_78 : vector<1024x128xf32>
    %mul3A_94 = arith.mulf %logistic3A_92, %tanh3A_93 : vector<1024x128xf32>
    %add3A_95 = arith.addf %mul3A_86, %mul3A_94 : vector<1024x128xf32>
    %logistic3A_96 = arith.negf %slice3A_79 : vector<1024x128xf32>
    %logistic3A_97 = math.exp %logistic3A_96 : vector<1024x128xf32>
    %logistic3A_98 = arith.constant 1.000000e+00 : f32
    %logistic3A_99 = vector.broadcast %logistic3A_98 : f32 to vector<1024x128xf32>
    %logistic3A_100 = arith.addf %logistic3A_99, %logistic3A_97 : vector<1024x128xf32>
    %logistic3A_101 = arith.divf %logistic3A_99, %logistic3A_100 : vector<1024x128xf32>
    %tanh3A_102 = math.tanh %add3A_95 : vector<1024x128xf32>
    %mul3A_103 = arith.mulf %logistic3A_101, %tanh3A_102 : vector<1024x128xf32>
    %get3A_104 = arith.constant 0 : index
    %get3A_105 = arith.constant 0 : index
    %get3A_106 = vector.load %arg5[%get3A_104, %get3A_105] : memref<1024x128xf32, #tpu.memory_space<vmem>>, vector<1024x128xf32>
    %gt3A = arith.constant 0.000000e+00 : f32
    %gt3A_107 = vector.broadcast %gt3A : f32 to vector<1024x128xf32>
    %gt3A_108 = arith.cmpf ogt, %get3A_106, %gt3A_107 : vector<1024x128xf32>
    %select_n3A = arith.select %gt3A_108, %mul3A_103, %get3A_1 : vector<1024x128xi1>, vector<1024x128xf32>
    %swap3A = arith.constant 0 : index
    %swap3A_109 = arith.constant 0 : index
    %swap3A_110 = vector.load %arg14[%swap3A, %swap3A_109] : memref<1024x128xf32, #tpu.memory_space<vmem>>, vector<1024x128xf32>
    tpu.vector_store %arg14[%swap3A, %swap3A_109], %select_n3A {strides = array<i32>} : memref<1024x128xf32, #tpu.memory_space<vmem>>, vector<1024x128xf32>,
    return
  }
}

</mosaic_0001>

<sc_bundles>
// kernel: kernel.4.cloned.1.call-start
scs
__scs_entry_jumppad:
0x0: {  	(pc) =	sbr.rel $0x88, $3  }
0x1: {  	(tag) =	ssettag $0x0;
	lr =	simm.s32 $0x1  }
0x2: {  	[smem:$0x3F94] =	sst lr;
	_ =	strace $0xD0000000  }
0x3: {  	_ = 	snop  }
0x4: {  	_ = 	snop  }
0x5: {  	_ = 	snop  }
0x6: {  	_ = 	snop  }
0x7: {  	_ = 	snop  }
__scs_overlays_trampoline_lowered:
0x8: {  	[smem:$0x3FA3] =	sst s0  }
0x9: {  	[smem:$0x3FA4] =	sst s1  }
0xa: {  	[smem:$0x3FA5] =	sst s2  }
0xb: {  	[smem:$0x3FA6] =	sst s3  }
0xc: {  	[smem:$0x3FA7] =	sst s4  }
0xd: {  	[smem:$0x3FA8] =	sst s5  }
0xe: {  	[smem:$0x3FA9] =	sst s6  }
0xf: {  	[smem:$0x3FAA] =	sst s7  }
0x10: {  	[smem:$0x3FAB] =	sst s8  }
0x11: {  	[smem:$0x3FAC] =	sst s9;
	s0 =	simm.s32 @!p0 $0x0  }
0x12: {  	s1 =	sld [smem:$0x3F92];
	s0 =	simm.s32 @p0 $0x1  }
0x13: {  	[smem:$0x3FAD] =	sst s0;
	s0 =	simm.s32 @!p1 $0x0  }
0x14: {  	s2 =	sld [smem:$0x3F91];
	s0 =	simm.s32 @p1 $0x1  }
0x15: {  	[smem:$0x3FAE] =	sst s0;
	s0 =	simm.s32 @!p2 $0x0  }
0x16: {  	s3 =	sld [smem:$0x3FDB];
	s0 =	simm.s32 @p2 $0x1  }
0x17: {  	s4 =	simm.s32 $0x1BF5;
	[smem:$0x3FB0] =	sst s0  }
0x18: {  	s0 =	sld [smem:$0x3F93];
	_ =	swait.ge [sflag:s4], $0x0  }
0x19: {  	s7 =	sld [smem:$0x3F94]  }
0x1a: {  	s8 =	sadd.s32 $0xFFFFE003, lr  }
0x1b: {  	s9 =	sadd.s32 $0xFFFFFEF7, lr;
	s5 =	simm.s32 $0xFFFFFFFF;
	p2 =	slt.u32 s8, $0xFFFFF086  }
0x1c: {  	p1 =	slt.u32 s9, $0xF7A;
	s5 =	simm.s32 @!p2 $0x0  }
0x1d: {  	s5 =	simm.s32 @p1 $0x1;
	p0 =	seq.s32 s7, s2  }
0x1e: {  	s7 =	smul.u32 @!p0 $0xF7A, s2;
	p2 =	seq.s32 @!p0 s5, $0x0  }
0x1f: {  	s9 =	smul.u32 $0xF7A, s1;
	s8 =	simm.s32 @!p0 $0x1BF5;
	p2 =	por !p2, p0  }
0x20: {  	[sflag:s8] =	ssyncset.s32 @!p0 $0xFFFFF086;
	s6 =	sadd.s32 @!p0 s3, s7;
	s7 =	simm.s32 @!p0 $0x108  }
0x21: {  	s3 =	sadd.s32 s3, s9;
	s6 =	sadd.s32 @!p0 $0x88, s6;
	s7 =	simm.s32 @p2 $0x1082  }
0x22: {  	[simem:s7], [sflag:s8] =	dma.local @!p0 [hbm:s6], $0xF7A  }
0x23: {  	s9 =	sor.u32 $0xD0000000, s2;
	s6 =	simm.s32 $0x108;
	_ =	swait.ge @!p0 [sflag:s8], $0x0  }
0x24: {  	s3 =	sadd.s32 $0x88, s3;
	s6 =	simm.s32 @!p1 $0x1082;
	[sflag:s4] =	ssyncset.s32 $0xFFFFF086  }
0x25: {  	[simem:s6], [sflag:s4] =	dma.local [hbm:s3], $0xF7A  }
0x26: {  	[smem:$0x3F94] =	sst s1;
	(tag) =	ssettag s2;
	_ =	strace s9  }
0x27: {  	s1 =	sld [smem:$0x3FA4]  }
0x28: {  	s2 =	sld [smem:$0x3FA5]  }
0x29: {  	s4 =	sld [smem:$0x3FA7]  }
0x2a: {  	p0 =	seq.s32 s5, $0x0;
	s5 =	sld [smem:$0x3FA8]  }
0x2b: {  	s6 =	sld [smem:$0x3FA9]  }
0x2c: {  	s7 =	sld [smem:$0x3FAA]  }
0x2d: {  	s3 =	simm.s32 $0x108;
	s8 =	sld [smem:$0x3FAB]  }
0x2e: {  	s3 =	simm.s32 @!p0 $0x1082;
	s9 =	sld [smem:$0x3FAC]  }
0x2f: {  	lr =	sadd.s32 s0, s3;
	s0 =	sld [smem:$0x3FA3]  }
0x30: {  	s3 =	sld [smem:$0x3FA6]  }
0x31: {  	[smem:$0x3FAF] =	sst s10  }
0x32: {  	s10 =	sld [smem:$0x3FAD];
	_ =	sdelay $0x3  }
0x33: {  	p0 =	seq.s32 s10, $0x1;
	s10 =	sld [smem:$0x3FAF];
	_ =	sdelay $0x3  }
0x34: {  	[smem:$0x3FAF] =	sst s10  }
0x35: {  	s10 =	sld [smem:$0x3FAE];
	_ =	sdelay $0x3  }
0x36: {  	p1 =	seq.s32 s10, $0x1;
	s10 =	sld [smem:$0x3FAF];
	_ =	sdelay $0x3  }
0x37: {  	[smem:$0x3FAF] =	sst s10  }
0x38: {  	s10 =	sld [smem:$0x3FB0]  }
0x39: {  	_ = 	snop;
	(pc) =	sbr.ind lr, $3  }
0x3a: {  	_ = 	snop  }
0x3b: {  	_ = 	snop  }
0x3c: {  	p2 =	seq.s32 s10, $0x1;
	s10 =	sld [smem:$0x3FAF]  }
0x3d: {  	_ =	shalt  }
0x3e: {  	_ =	shalt  }
0x3f: {  	_ =	shalt  }
0x40: {  	_ =	shalt  }
0x41: {  	_ =	shalt  }
0x42: {  	_ =	shalt  }
0x43: {  	_ =	shalt  }
0x44: {  	_ =	shalt  }
0x45: {  	_ =	shalt  }
0x46: {  	_ =	shalt  }
0x47: {  	_ =	shalt  }
0x48: {  	_ =	shalt  }
0x49: {  	_ =	shalt  }
0x4a: {  	_ =	shalt  }
0x4b: {  	_ =	shalt  }
0x4c: {  	_ =	shalt  }
0x4d: {  	_ =	shalt  }
0x4e: {  	_ =	shalt  }
0x4f: {  	_ =	shalt  }
0x50: {  	_ =	shalt  }
0x51: {  	_ =	shalt  }
0x52: {  	_ =	shalt  }
0x53: {  	_ =	shalt  }
0x54: {  	_ =	shalt  }
0x55: {  	_ =	shalt  }
0x56: {  	_ =	shalt  }
0x57: {  	_ =	shalt  }
0x58: {  	_ =	shalt  }
0x59: {  	_ =	shalt  }
0x5a: {  	_ =	shalt  }
0x5b: {  	_ =	shalt  }
0x5c: {  	_ =	shalt  }
0x5d: {  	_ =	shalt  }
0x5e: {  	_ =	shalt  }
0x5f: {  	_ =	shalt  }
0x60: {  	_ =	shalt  }
0x61: {  	_ =	shalt  }
0x62: {  	_ =	shalt  }
0x63: {  	_ =	shalt  }
0x64: {  	_ =	shalt  }
0x65: {  	_ =	shalt  }
0x66: {  	_ =	shalt  }
0x67: {  	_ =	shalt  }
0x68: {  	_ =	shalt  }
0x69: {  	_ =	shalt  }
0x6a: {  	_ =	shalt  }
0x6b: {  	_ =	shalt  }
0x6c: {  	_ =	shalt  }
0x6d: {  	_ =	shalt  }
0x6e: {  	_ =	shalt  }
0x6f: {  	_ =	shalt  }
0x70: {  	_ =	shalt  }
0x71: {  	_ =	shalt  }
0x72: {  	_ =	shalt  }
0x73: {  	_ =	shalt  }
0x74: {  	_ =	shalt  }
0x75: {  	_ =	shalt  }
0x76: {  	_ =	shalt  }
0x77: {  	_ =	shalt  }
0x78: {  	_ =	shalt  }
0x79: {  	_ =	shalt  }
0x7a: {  	_ =	shalt  }
0x7b: {  	_ =	shalt  }
0x7c: {  	_ =	shalt  }
0x7d: {  	_ =	shalt  }
0x7e: {  	_ =	shalt  }
0x7f: {  	_ =	shalt  }
0x80: {  	_ =	shalt  }
0x81: {  	_ =	shalt  }
0x82: {  	_ =	shalt  }
0x83: {  	_ =	shalt  }
0x84: {  	_ =	shalt  }
0x85: {  	_ =	shalt  }
0x86: {  	_ =	shalt  }
0x87: {  	_ =	shalt  }
.Lfunc_end0:
.L_simem_size_0:
called_computation_lowered:
.L_overlay_start_0:
0x88: {  	s2 =	sld [smem:$0x3FD9]  }
0x89: {  	s3 =	sld [smem:$0x3FFE];
	_ =	sdelay $0x1  }
0x8a: {  	s1 =	srdreg.scid  }
0x8b: {  	s0 =	sand.u32 $0x1, s1  }
0x8c: {  	s17 =	sshll.u32 s0, $0xA;
	s2 =	sadd.s32 s3, s2  }
0x8d: {  	s2 =	sadd.s32 s2, s17  }
0x8e: {  	[smem:$0x3FBB] =	sst s2  }
0x8f: {  	_ = 	snop  }
0x90: {  	s2 =	sld [smem:$0x3FC8]  }
0x91: {  	s18 =	sld [smem:$0x3FC7]  }
0x92: {  	s4 =	sld [smem:$0x3FC5]  }
0x93: {  	s5 =	sld [smem:$0x3FD0];
	(tm) =	ssettm $0x1  }
0x94: {  	s6 =	sld [smem:$0x3FFB];
	_ =	sdelay $0x3  }
0x95: {  	_ =	strace s6  }
0x96: {  	s6 =	sld [smem:$0x3FFC];
	_ =	sdelay $0x3  }
0x97: {  	_ =	strace s6  }
0x98: {  	s6 =	sld [smem:$0x3FFD];
	_ =	sdelay $0x3  }
0x99: {  	_ =	strace s6  }
0x9a: {  	_ =	strace $0x8FFFFFFF  }
0x9b: {  	s19 =	sld [smem:$0x3FDB];
	_ =	sdelay $0x1  }
0x9c: {  	s7 =	simm.s32 $_scs_section_size  }
0x9d: {  	s8 =	simm.s32 $_size__tile_overlayer_lowered;
	s9 =	simm.s32 $_tile_overlayer_lowered  }
0x9e: {  	s22 =	simm.s32 $0x1BFF;
	s21 =	sshll.u32 s9, $0x1;
	s6 =	sadd.s32 s7, s19  }
0x9f: {  	s10 =	simm.s32 $0x0;
	s20 =	sshll.u32 s8, $0x1;
	s8 =	sadd.s32 s21, s6  }
0xa0: {  	[timem:s10], [sflag:s22] =	dma.local [hbm:s8], s20  }
0xa1: {  	_ =	swait.ge [sflag:s22], s20  }
0xa2: {  	s7 =	ssub.s32 $0x0, s20;
	[sflag:s22] =	ssyncset.done $0x0  }
0xa3: {  	[sflag:s22] =	ssyncadd.s32 s7;
	_ =	sdelay $0x1  }
0xa4: {  	s23 =	simm.s32 $0x1B8B  }
0xa5: {  	_ =	swait.ge [sflag:s23], $0x1  }
0xa6: {  	[sflag:s23] =	ssyncset.done $0x0  }
0xa7: {  	s25 =	simm.s32 $0x1B8E;
	s24 =	sld [smem:$0x3FFE];
	[sflag:s23] =	ssyncadd.s32 $0xFFFFFFFF  }
0xa8: {  	s26 =	simm.s32 $execute0_lowered;
	[smem:$0x3FD2] =	sst s25  }
0xa9: {  	s8 =	sshll.u32 s26, $0x1;
	_ =	strace $0x80000046;
	[dreg:$0x1] =	wrdreg $0xFFFFFFFF  }
0xaa: {  	s28 =	simm.s32 $_size_execute0_lowered;
	s6 =	sadd.s32 s6, s8;
	[dreg:$0x0] =	wrdreg $0x0  }
0xab: {  	s8 =	sshll.u32 s28, $0x1;
	[dreg:$0x2] =	wrdreg s6  }
0xac: {  	[dreg:$0x3] =	wrdreg s8  }
0xad: {  	[dreg:$0x4] =	wrdreg $0xC0  }
0xae: {  	_ =	task [dreg:s10], $0x5FFFF  }
0xaf: {  	[dreg:$0x1] =	wrdreg $0xFFFFFFFF  }
0xb0: {  	[dreg:$0x0] =	wrdreg $0x60  }
0xb1: {  	[dreg:$0x2] =	wrdreg s2  }
0xb2: {  	[dreg:$0x3] =	wrdreg s18  }
0xb3: {  	[dreg:$0x4] =	wrdreg s4  }
0xb4: {  	[dreg:$0x5] =	wrdreg s5  }
0xb5: {  	[dreg:$0x6] =	wrdreg s24  }
0xb6: {  	[dreg:$0x7] =	wrdreg $0x9  }
0xb7: {  	_ =	task.clear_ibuf [dreg:s10], $0x8FFFF;
	_ =	strace $0x90000046  }
0xb8: {  	s29 =	simm.s32 $0x9;
	_ =	strace $0x80000048  }
0xb9: {  	_ =	swait.ge [sflag:s29], $0x1  }
0xba: {  	[sflag:s29] =	ssyncadd.s32 $0xFFFFFFFF  }
0xbb: {  	_ =	strace $0x90000048  }
0xbc: {  	_ =	sfence  }
0xbd: {  	s30 =	sld [smem:$0x0];
	_ =	sdelay $0x2  }
0xbe: {  	s31 =	sshll.u32 s1, $0xD;
	s1 =	sshrl.u32 s1, $0x2  }
0xbf: {  	s3 =	sand.u32 $0x4000, s31;
	s1 =	sadd.s32 s1, s30  }
0xc0: {  	s0 =	sor.u32 s3, s0;
	s1 =	sshll.u32 s1, $0x11  }
0xc1: {  	s0 =	sor.u32 s1, s0  }
0xc2: {  	s0 =	sadd.s32 $0x8F2B, s0  }
0xc3: {  	[sflag:s0] =	ssyncadd.remote.s32 $0x1  }
0xc4: {  	_ =	sfence.sel $0xFFFF  }
0xc5: {  	[dreg:$0x0] =	wrdreg $0xFFFFFFFF;
	(pc) =	sbr.abs _section_cstart, $3  }
0xc6: {  	[dreg:$0x1] =	wrdreg $0xFFFFFFFF  }
0xc7: {  	_ =	task.clear_ibuf [dreg:s10], $0x2FFFF;
	_ =	strace $0x9FFFFFFF  }
0xc8: {  	(tm) =	ssettm $0x7FFFFFFF  }
0xc9: {  	_ =	shalt  }
tec
execute0_lowered:
.L_overlay_start_1:
0x0: {  	(tag) =	ssettag $0x1  }
0x1: {  	s2 =	rddreg [dreg:$0x0]  }
0x2: {  	s3 =	rddreg [dreg:$0x1]  }
0x3: {  	s5 =	rddreg [dreg:$0x2];
	s1 =	srdreg.scid  }
0x4: {  	s12 =	rddreg [dreg:$0x3];
	s0 =	stileid.u32;
	s20 =	sand.u32 $0x1, s1  }
0x5: {  	s13 =	rddreg [dreg:$0x4];
	s6 =	sshll.u32 s0, $0x6;
	s7 =	sshll.u32 s20, $0x5  }
0x6: {  	s4 =	simm.s32 $0x0;
	s1 =	rddreg [dreg:$0x5];
	s14 =	sor.u32 s7, s6  }
0x7: {  	[smem:$0x7FF] =	sst s4;
	s6 =	sshrl.u32 s14, $0x3  }
0x8: {  	_ =	strace $0x80000047;
	s5 =	sadd.s32 s5, s6;
	s6 =	simm.s32 $0x7  }
0x9: {  	[tilespmem:s4], [sflag:$0x7] =	stream.linear.gather [hbm4b:s5+s4], $0x20, $0x38;
	[tilespmem:$0x4100] =	vst v63  }
0xa: {  	_ =	swait.ge [sflag:s6], $0x20  }
0xb: {  	[sflag:s6] =	ssyncset.done $0x0  }
0xc: {  	[sflag:s6] =	ssyncadd.s32 $0xFFFFFFE0  }
0xd: {  	v1 =	vld [tilespmem:$0x0];
	_ =	sdelay $0x1  }
0xe: {  	v0 =	vlaneseq.u32;
	v3 =	vld [tilespmem:$0x10]  }
0xf: {  	v4 =	vmul.u32 $0x2, v0;
	v2 =	vmov s14  }
0x10: {  	s7 =	sor.u32 $0x10, s14;
	v0 =	vshll.u32 v2, $0x1  }
0x11: {  	v2 =	vmov s7;
	v0 =	vor.u32 v4, v0;
	v5 =	vshll.u32 v1, $0xB  }
0x12: {  	v2 =	vshll.u32 v2, $0x1;
	v1 =	vor.u32 $0x1, v0;
	v6 =	vor.u32 v0, v5  }
0x13: {  	v2 =	vor.u32 v4, v2;
	v4 =	vor.u32 v1, v5;
	v5 =	vshll.u32 v3, $0xB;
	[tilespmem:$0x80] =	vst v6  }
0x14: {  	v3 =	vor.u32 $0x1, v2;
	v63 =	vor.u32 v2, v5;
	[tilespmem:$0xA0] =	vst v4  }
0x15: {  	v4 =	vor.u32 v3, v5;
	[tilespmem:$0x90] =	vst v63  }
0x16: {  	s8 =	simm.s32 $0x80;
	s9 =	simm.s32 $0x100;
	s7 =	simm.s32 $0x40;
	[tilespmem:$0xB0] =	vst v4  }
0x17: {  	[tilespmem:s9], [sflag:$0x1] =	stream.indirect.gather [hbm4b:s2+s7], $0x80, s8, s7, $0xb8;
	[tilespmem:$0x4100] =	vst v63  }
0x18: {  	s10 =	simm.s32 $0x2100;
	s11 =	simm.s32 $0x1  }
0x19: {  	[tilespmem:s10], [sflag:$0x2] =	stream.indirect.gather [hbm4b:s3+s7], $0x80, s8, s7, $0xb8;
	[tilespmem:$0x4100] =	vst v63  }
0x1a: {  	_ =	swait.ge [sflag:s11], $0x2000  }
0x1b: {  	s14 =	sshll.u32 s14, $0x4;
	[sflag:s11] =	ssyncset.done $0x0  }
0x1c: {  	s17 =	sadd.s32 s14, s13;
	s12 =	sadd.s32 s12, s14;
	[sflag:s11] =	ssyncadd.s32 $0xFFFFE000  }
0x1d: {  	[hbm4b:s12+s4] =	stream.linear.scatter [tilespmem:s9], [sflag:$0x3], $0x1000, $0x38;
	[tilespmem:$0x4100] =	vst v63  }
0x1e: {  	s15 =	simm.s32 $0x2;
	s14 =	simm.s32 $0x1100;
	s13 =	sadd.s32 $0x2400, s17  }
0x1f: {  	[hbm4b:s13+s4] =	stream.linear.scatter [tilespmem:s14], [sflag:$0x4], $0x1000, $0x38;
	[tilespmem:$0x4100] =	vst v63  }
0x20: {  	_ =	swait.ge [sflag:s15], $0x2000  }
0x21: {  	s18 =	simm.s32 $0x3100;
	[sflag:s15] =	ssyncset.done $0x0  }
0x22: {  	s21 =	ssub.s32 $0x2, s20;
	s16 =	sadd.s32 $0x6400, s17;
	[sflag:s15] =	ssyncadd.s32 $0xFFFFE000  }
0x23: {  	[hbm4b:s16+s4] =	stream.linear.scatter [tilespmem:s10], [sflag:$0x5], $0x1000, $0x38;
	[tilespmem:$0x4100] =	vst v63  }
0x24: {  	s19 =	simm.s32 $0x3;
	s22 =	sshrl.u32 s21, $0x1;
	s17 =	sadd.s32 $0xA400, s17  }
0x25: {  	[hbm4b:s17+s4] =	stream.linear.scatter [tilespmem:s18], [sflag:$0x6], $0x1000, $0x38;
	[tilespmem:$0x4100] =	vst v63  }
0x26: {  	s21 =	ssub.s32 s21, s22;
	_ =	swait.ge [sflag:s19], $0x1000  }
0x27: {  	s23 =	smax.u32 s21, $0x1;
	[sflag:s19] =	ssyncset.done $0x0  }
0x28: {  	s20 =	simm.s32 $0x4;
	p0 =	sne.s32 s23, $0x1;
	[sflag:s19] =	ssyncadd.s32 $0xFFFFF000  }
.Ltmp0:
0x29: {  	_ =	swait.ge [sflag:s20], $0x1000;
	(pc) =	sbr.rel @!p0 .LBB2_2-.Ltmp0, $4  }
0x2a: {  	[sflag:s20] =	ssyncset.done $0x0  }
0x2b: {  	s21 =	simm.s32 $0x5;
	[sflag:s20] =	ssyncadd.s32 $0xFFFFF000  }
0x2c: {  	_ =	swait.ge [sflag:s21], $0x1000  }
0x2d: {  	s22 =	simm.s32 $0x6;
	s23 =	sadd.s32 $0xFFFFFFFF, s23;
	[sflag:s21] =	ssyncset.done $0x0  }
.LBB2_1:
0x2e: {  	p0 =	sne.s32 s23, $0x1;
	s23 =	sadd.s32 $0xFFFFFFFF, s23;
	[sflag:s21] =	ssyncadd.s32 $0xFFFFF000  }
0x2f: {  	_ =	swait.ge [sflag:s22], $0x1000  }
0x30: {  	[sflag:s22] =	ssyncset.done $0x0  }
0x31: {  	[sflag:s22] =	ssyncadd.s32 $0xFFFFF000  }
0x32: {  	[tilespmem:s4], [sflag:$0x7] =	stream.linear.gather [hbm4b:s5+s4], $0x20, $0x38;
	[tilespmem:$0x4100] =	vst v63  }
0x33: {  	_ =	swait.ge [sflag:s6], $0x20  }
0x34: {  	[sflag:s6] =	ssyncset.done $0x0  }
0x35: {  	[sflag:s6] =	ssyncadd.s32 $0xFFFFFFE0  }
0x36: {  	v4 =	vld [tilespmem:$0x0]  }
0x37: {  	v5 =	vld [tilespmem:$0x10];
	_ =	sdelay $0x3  }
0x38: {  	v4 =	vshll.u32 v4, $0xB  }
0x39: {  	v6 =	vor.u32 v0, v4;
	v4 =	vor.u32 v1, v4;
	v5 =	vshll.u32 v5, $0xB  }
0x3a: {  	[tilespmem:$0x80] =	vst v6;
	v6 =	vor.u32 v2, v5;
	v5 =	vor.u32 v3, v5  }
0x3b: {  	[tilespmem:$0xA0] =	vst v4  }
0x3c: {  	[tilespmem:$0x90] =	vst v6  }
0x3d: {  	[tilespmem:$0xB0] =	vst v5  }
0x3e: {  	[tilespmem:s9], [sflag:$0x1] =	stream.indirect.gather [hbm4b:s2+s7], $0x80, s8, s7, $0xb8;
	[tilespmem:$0x4100] =	vst v63  }
0x3f: {  	_ = 	snop  }
0x40: {  	[tilespmem:s10], [sflag:$0x2] =	stream.indirect.gather [hbm4b:s3+s7], $0x80, s8, s7, $0xb8;
	[tilespmem:$0x4100] =	vst v63  }
0x41: {  	_ =	swait.ge [sflag:s11], $0x2000  }
0x42: {  	[sflag:s11] =	ssyncset.done $0x0  }
0x43: {  	[sflag:s11] =	ssyncadd.s32 $0xFFFFE000  }
0x44: {  	[hbm4b:s12+s4] =	stream.linear.scatter [tilespmem:s9], [sflag:$0x3], $0x1000, $0x38;
	[tilespmem:$0x4100] =	vst v63  }
0x45: {  	_ = 	snop  }
0x46: {  	[hbm4b:s13+s4] =	stream.linear.scatter [tilespmem:s14], [sflag:$0x4], $0x1000, $0x38;
	[tilespmem:$0x4100] =	vst v63  }
0x47: {  	_ =	swait.ge [sflag:s15], $0x2000  }
0x48: {  	[sflag:s15] =	ssyncset.done $0x0  }
0x49: {  	[sflag:s15] =	ssyncadd.s32 $0xFFFFE000  }
0x4a: {  	[hbm4b:s16+s4] =	stream.linear.scatter [tilespmem:s10], [sflag:$0x5], $0x1000, $0x38;
	[tilespmem:$0x4100] =	vst v63  }
0x4b: {  	_ = 	snop  }
0x4c: {  	[hbm4b:s17+s4] =	stream.linear.scatter [tilespmem:s18], [sflag:$0x6], $0x1000, $0x38;
	[tilespmem:$0x4100] =	vst v63  }
0x4d: {  	_ =	swait.ge [sflag:s19], $0x1000  }
0x4e: {  	[sflag:s19] =	ssyncset.done $0x0  }
0x4f: {  	[sflag:s19] =	ssyncadd.s32 $0xFFFFF000  }
.Ltmp1:
0x50: {  	_ =	swait.ge [sflag:s20], $0x1000;
	(pc) =	sbr.rel @p0 .LBB2_1-.Ltmp1, $4  }
0x51: {  	[sflag:s20] =	ssyncset.done $0x0  }
0x52: {  	[sflag:s20] =	ssyncadd.s32 $0xFFFFF000  }
0x53: {  	_ =	swait.ge [sflag:s21], $0x1000  }
0x54: {  	[sflag:s21] =	ssyncset.done $0x0  }
.LBB2_2:
0x55: {  	[sflag:s21] =	ssyncadd.s32 $0xFFFFF000  }
0x56: {  	_ =	swait.ge [sflag:s22], $0x1000  }
0x57: {  	[sflag:s22] =	ssyncset.done $0x0  }
0x58: {  	[sflag:s22] =	ssyncadd.s32 $0xFFFFF000  }
0x59: {  	_ =	sfence.sel $0x180000  }
0x5a: {  	[bflag:$0x0] =	sbarrier.arrive $0xFFFF  }
0x5b: {  	p0 =	sne.s32 s0, $0x0;
	_ =	strace $0x90000047  }
0x5c: {  	s0 =	sadd.s32 @!p0 $0x100000, s1;
	[bflag:$0x2] =	sbarrier.arrive $0xFFFF  }
0x5d: {  	[sflag:s0] =	ssyncadd.tile.s32 @!p0 $0x1;
	_ =	shalt  }
.Lfunc_end2:
_tile_overlayer_lowered:
.L_overlay_start_2:
0x5e: {  	(tag) =	ssettag $0x2  }
0x5f: {  	s0 =	rddreg [dreg:$0x0];
	s2 =	stileid.u32  }
0x60: {  	s1 =	rddreg [dreg:$0x1];
	p0 =	sne.s32 s2, $0x0  }
0x61: {  	s3 =	rddreg [dreg:$0x2];
	[bflag:$0x3] =	sbarrier.arrive $0xFFFF;
	s2 =	simm.s32 @!p0 $0x1C07  }
0x62: {  	[timem:s3], [sflag:s2] =	dma.local @!p0 [hbm:s0], s1  }
0x63: {  	s0 =	simm.s32 @!p0 $0x7  }
0x64: {  	_ =	swait.ge @!p0 [sflag:s0], s1  }
0x65: {  	s1 =	ssub.s32 @!p0 $0x0, s1;
	[sflag:s0] =	ssyncset.done @!p0 $0x0  }
0x66: {  	[sflag:s0] =	ssyncadd.s32 @!p0 s1  }
0x67: {  	[bflag:$0x3] =	sbarrier.arrive $0xFFFF  }
0x68: {  	_ =	shalt  }

</sc_bundles>
